<compile_context>
chip_gen: v7x
topology: tpu7x:2x2x1
jax: 0.10.2.dev20260603
libtpu: 0.0.44.dev20260713+nightly
codegen_flags: <defaults>
</compile_context>

<pallas_src>
import functools

import jax
import jax.numpy as jnp
from jax.experimental import pallas as pl
from jax.experimental.pallas import tpu as pltpu
from jax.experimental.pallas import tpu_sc as plsc


def _tc_body(dq_ref, x_ref, w1_ref, b1_ref, w2_ref, b2_ref, emb_ref,
             embt_ref, ind_ref, diff_ref, acc_ref):
    i = pl.program_id(0)
    nb = pl.num_programs(0)
    bm = x_ref.shape[0]
    ncodes = emb_ref.shape[1]
    dm = emb_ref.shape[0]

    h = jnp.dot(x_ref[...], w1_ref[...]) + b1_ref[...]
    h = jnp.where(h >= 0, h, 0.01 * h)
    z = jnp.dot(h, w2_ref[...]) + b2_ref[...]

    emb = emb_ref[...]
    zsq = (z ** 2).sum(axis=1, keepdims=True)
    esq = (emb ** 2).sum(axis=0, keepdims=True)
    dist = zsq - 2.0 * jnp.dot(z, emb) + esq

    minval = jnp.min(dist, axis=1, keepdims=True)
    iota = jax.lax.broadcasted_iota(jnp.int32, (bm, ncodes), 1)
    ind = jnp.min(jnp.where(dist == minval, iota, ncodes), axis=1)

    ind_ref[...] = ind.reshape(1, 1, bm)

    @pl.when(i == 0)
    def _init():
        acc_ref[0] = 0.0
        embt_ref[...] = emb.T

    acc_ref[0] += jnp.sum(minval)

    @pl.when(i == nb - 1)
    def _fin():
        dq = dq_ref[0] != 0
        diff_ref[0, 0] = jnp.where(dq, acc_ref[0] / (nb * bm * dm), 0.0)


def _tc_encode(dq, x, w1, b1, w2, b2, emb, *, bm=512, interpret=False):
    b, inp = x.shape
    dh = w1.shape[1]
    dm, ncodes = emb.shape
    nb = b // bm
    embt, ind, diff = pl.pallas_call(
        _tc_body,
        grid=(nb,),
        in_specs=[
            pl.BlockSpec(memory_space=pltpu.SMEM),
            pl.BlockSpec((bm, inp), lambda i: (i, 0)),
            pl.BlockSpec((inp, dh), lambda i: (0, 0)),
            pl.BlockSpec((1, dh), lambda i: (0, 0)),
            pl.BlockSpec((dh, dm), lambda i: (0, 0)),
            pl.BlockSpec((1, dm), lambda i: (0, 0)),
            pl.BlockSpec((dm, ncodes), lambda i: (0, 0)),
        ],
        out_specs=[
            pl.BlockSpec((ncodes, dm), lambda i: (0, 0)),
            pl.BlockSpec((1, 1, bm), lambda i: (i, 0, 0)),
            pl.BlockSpec(memory_space=pltpu.SMEM),
        ],
        out_shape=[
            jax.ShapeDtypeStruct((ncodes, dm), jnp.float32),
            jax.ShapeDtypeStruct((nb, 1, bm), jnp.int32),
            jax.ShapeDtypeStruct((1, 1), jnp.float32),
        ],
        scratch_shapes=[pltpu.SMEM((1,), jnp.float32)],
        compiler_params=pltpu.CompilerParams(
            dimension_semantics=("arbitrary",),
        ),
        interpret=interpret,
    )(dq, x, w1, b1, w2, b2, emb)
    return embt, ind, diff


def _sc_gather(table, idx):
    ncodes, dm = table.shape
    b = idx.shape[0]
    info = plsc.get_sparse_core_info()
    nc, ns = info.num_cores, info.num_subcores
    nw = nc * ns
    bpw = b // nw
    mesh = plsc.VectorSubcoreMesh(core_axis_name="c", subcore_axis_name="s")

    @functools.partial(
        pl.kernel, mesh=mesh,
        out_type=jax.ShapeDtypeStruct((b, dm), jnp.float32),
        scratch_types=[
            pltpu.VMEM((bpw,), jnp.int32),
            pltpu.VMEM((bpw, dm), jnp.float32),
            pltpu.SemaphoreType.DMA,
        ],
    )
    def k(table_hbm, idx_hbm, out_hbm, idx_v, rows_v, sem):
        wid = jax.lax.axis_index("s") * nc + jax.lax.axis_index("c")
        base = wid * bpw
        pltpu.sync_copy(idx_hbm.at[pl.ds(base, bpw)], idx_v)
        pltpu.async_copy(table_hbm.at[pl.ds(0, bpw)], rows_v, sem).wait()
        pltpu.sync_copy(rows_v, out_hbm.at[pl.ds(base, bpw)])

    return k(table, idx)


def kernel(x, W1, b1, W2, b2, embed, do_quantize, k):
    b = x.shape[0]
    xin = x.reshape((b, -1))
    dq = jnp.asarray(do_quantize, jnp.int32).reshape(1)
    embt, ind, diff = _tc_encode(
        dq, xin, W1, b1.reshape(1, -1), W2, b2.reshape(1, -1), embed)
    ind_flat = ind.reshape(b)
    zq = _sc_gather(embt, ind_flat)
    return zq, diff.reshape(()), ind.reshape(1, b)

# --- scband reference (transcript-rebuilt; emitter-appended) ---
"""Pipeline reference for scband-encoder-53231824666879 (READ-ONLY COPY).

The authoritative reference and input builder live on the scoring server;
editing this copy changes nothing except your own understanding.
"""

import jax, jax.numpy as jnp
import numpy as np

B, INP, DH, DM, NCODES = 1024, 2048, 1024, 512, 1024

def setup_inputs(seed: int = 0) -> dict:
    key = jax.random.key(seed)
    ks = jax.random.split(key, 6)
    x = jax.random.normal(ks[0], (B, INP), dtype=jnp.float32)
    W1 = jax.random.normal(ks[1], (INP, DH), dtype=jnp.float32) * (1.0 / np.sqrt(INP))
    b1 = jnp.zeros((DH,), dtype=jnp.float32)
    W2 = jax.random.normal(ks[2], (DH, DM), dtype=jnp.float32) * (1.0 / np.sqrt(DH))
    b2 = jnp.zeros((DM,), dtype=jnp.float32)
    embed = jax.random.normal(ks[3], (DM, NCODES), dtype=jnp.float32)
    return {"x": x, "W1": W1, "b1": b1, "W2": W2, "b2": b2, "embed": embed, "do_quantize": 1, "k": 0}

def reference(x, W1, b1, W2, b2, embed, do_quantize, k):
    xin = x.reshape((x.shape[0], -1))
    h = jnp.dot(xin, W1) + b1
    h = jnp.where(h >= 0, h, 0.01 * h)  # LeakyReLU default slope
    z = jnp.dot(h, W2) + b2
    dq = jnp.asarray(do_quantize) != 0
    z3 = z[None]  # (1, B, DM) mimics x.unsqueeze(0)
    dim = embed.shape[0]
    flatten = z3.reshape(-1, dim)
    dist = ((flatten ** 2).sum(axis=1, keepdims=True)
            - 2.0 * flatten @ embed
            + (embed ** 2).sum(axis=0, keepdims=True))
    ind = jnp.argmax(-dist, axis=1)
    quantize = jnp.take(embed.T, ind, axis=0).reshape(z3.shape)
    diff = jnp.mean((jax.lax.stop_gradient(quantize) - z3) ** 2)
    quantize = z3 + jax.lax.stop_gradient(quantize - z3)  # straight-through
    z_q = quantize[0]
    ind = ind.reshape(z3.shape[:-1])
    z_q = jnp.where(dq, z_q, z)
    diff = jnp.where(dq, diff, jnp.float32(0.0))
    return (z_q, diff, ind)

if __name__ == "__main__":
    import jax
    _d = setup_inputs()
    print(jax.jit(kernel)(*tuple(_d.values())))

</pallas_src>

<mosaic_0001>
#map = affine_map<(d0, d1) -> (0, 0)>
#map1 = affine_map<(d0, d1) -> (0)>
module attributes {stable_mosaic.version = 14 : i64} {
  func.func @k(%arg0: i32, %arg1: i32, %arg2: memref<1024x512xf32, #tpu.memory_space<hbm>>, %arg3: memref<1024xi32, #tpu.memory_space<hbm>>, %arg4: memref<1024x512xf32, #tpu.memory_space<hbm>>, %arg5: memref<32xi32, #tpu.memory_space<vmem>>, %arg6: memref<32x512xf32, #tpu.memory_space<vmem>>, %arg7: memref<!tpu.dma_semaphore, #tpu.memory_space<semaphore_mem>>) attributes {dimension_semantics = [#tpu.dimension_semantics<core_parallel>, #tpu.dimension_semantics<subcore_parallel>], iteration_bounds = array<i64: 2, 16>, scalar_prefetch = 0 : i64, scratch_operands = 3 : i64, tpu.core_type = #tpu.core_type<sc_vector_subcore>, window_params = [{transform_indices = #map}, {transform_indices = #map1}, {transform_indices = #map}]} {
    %mul3A = arith.constant 2 : i32
    %mul3A_0 = arith.muli %arg1, %mul3A : i32
    %add3A = arith.addi %mul3A_0, %arg0 : i32
    %mul3A_1 = arith.constant 32 : i32
    %mul3A_2 = arith.muli %add3A, %mul3A_1 : i32
    "tpu.region"() ({
      %run_scoped3A = tpu.sem_alloc : memref<!tpu.dma_semaphore, #tpu.memory_space<semaphore_mem>>
      %dma_start3A_13 = tpu.memref_slice %arg3[%mul3A_2] : memref<1024xi32, #tpu.memory_space<hbm>> -> memref<32xi32, #tpu.memory_space<hbm>>
      %dma_start3A_14 = tpu.memref_slice %arg3[%mul3A_2] : memref<1024xi32, #tpu.memory_space<hbm>> -> memref<32xi32, #tpu.memory_space<hbm>>
      tpu.enqueue_dma source(%dma_start3A_14 : memref<32xi32, #tpu.memory_space<hbm>>) target(%arg5 : memref<32xi32, #tpu.memory_space<vmem>>) target_semaphore(%run_scoped3A : memref<!tpu.dma_semaphore, #tpu.memory_space<semaphore_mem>>)
      %dma_wait3A_15 = tpu.memref_slice %arg3[%mul3A_2] : memref<1024xi32, #tpu.memory_space<hbm>> -> memref<32xi32, #tpu.memory_space<hbm>>
      %dma_wait3A_16 = tpu.memref_slice %arg3[%mul3A_2] : memref<1024xi32, #tpu.memory_space<hbm>> -> memref<32xi32, #tpu.memory_space<hbm>>
      tpu.wait_dma2 semaphore(%run_scoped3A : memref<!tpu.dma_semaphore, #tpu.memory_space<semaphore_mem>>) src(%dma_wait3A_16 : memref<32xi32, #tpu.memory_space<hbm>>) dst(%arg5 : memref<32xi32, #tpu.memory_space<vmem>>)
      tpu.yield
    }) : () -> ()
    %dma_start3A = arith.constant 0 : i32
    %dma_start3A_3 = arith.constant 0 : i32
    %dma_start3A_4 = tpu.memref_slice %arg2[%dma_start3A, %dma_start3A_3] : memref<1024x512xf32, #tpu.memory_space<hbm>> -> memref<32x512xf32, #tpu.memory_space<hbm>>
    %dma_start3A_5 = arith.constant 0 : i32
    %dma_start3A_6 = arith.constant 0 : i32
    %dma_start3A_7 = tpu.memref_slice %arg2[%dma_start3A_5, %dma_start3A_6] : memref<1024x512xf32, #tpu.memory_space<hbm>> -> memref<32x512xf32, #tpu.memory_space<hbm>>
    tpu.enqueue_dma source(%dma_start3A_7 : memref<32x512xf32, #tpu.memory_space<hbm>>) target(%arg6 : memref<32x512xf32, #tpu.memory_space<vmem>>) target_semaphore(%arg7 : memref<!tpu.dma_semaphore, #tpu.memory_space<semaphore_mem>>)
    %dma_wait3A = arith.constant 0 : i32
    %dma_wait3A_8 = arith.constant 0 : i32
    %dma_wait3A_9 = tpu.memref_slice %arg2[%dma_wait3A, %dma_wait3A_8] : memref<1024x512xf32, #tpu.memory_space<hbm>> -> memref<32x512xf32, #tpu.memory_space<hbm>>
    %dma_wait3A_10 = arith.constant 0 : i32
    %dma_wait3A_11 = arith.constant 0 : i32
    %dma_wait3A_12 = tpu.memref_slice %arg2[%dma_wait3A_10, %dma_wait3A_11] : memref<1024x512xf32, #tpu.memory_space<hbm>> -> memref<32x512xf32, #tpu.memory_space<hbm>>
    tpu.wait_dma2 semaphore(%arg7 : memref<!tpu.dma_semaphore, #tpu.memory_space<semaphore_mem>>) src(%dma_wait3A_12 : memref<32x512xf32, #tpu.memory_space<hbm>>) dst(%arg6 : memref<32x512xf32, #tpu.memory_space<vmem>>)
    "tpu.region"() ({
      %run_scoped3A = tpu.sem_alloc : memref<!tpu.dma_semaphore, #tpu.memory_space<semaphore_mem>>
      %dma_start3A_13 = arith.constant 0 : i32
      %dma_start3A_14 = tpu.memref_slice %arg4[%mul3A_2, %dma_start3A_13] : memref<1024x512xf32, #tpu.memory_space<hbm>> -> memref<32x512xf32, #tpu.memory_space<hbm>>
      %dma_start3A_15 = arith.constant 0 : i32
      %dma_start3A_16 = tpu.memref_slice %arg4[%mul3A_2, %dma_start3A_15] : memref<1024x512xf32, #tpu.memory_space<hbm>> -> memref<32x512xf32, #tpu.memory_space<hbm>>
      tpu.enqueue_dma source(%arg6 : memref<32x512xf32, #tpu.memory_space<vmem>>) target(%dma_start3A_16 : memref<32x512xf32, #tpu.memory_space<hbm>>) target_semaphore(%run_scoped3A : memref<!tpu.dma_semaphore, #tpu.memory_space<semaphore_mem>>)
      %dma_wait3A_17 = arith.constant 0 : i32
      %dma_wait3A_18 = tpu.memref_slice %arg4[%mul3A_2, %dma_wait3A_17] : memref<1024x512xf32, #tpu.memory_space<hbm>> -> memref<32x512xf32, #tpu.memory_space<hbm>>
      %dma_wait3A_19 = arith.constant 0 : i32
      %dma_wait3A_20 = tpu.memref_slice %arg4[%mul3A_2, %dma_wait3A_19] : memref<1024x512xf32, #tpu.memory_space<hbm>> -> memref<32x512xf32, #tpu.memory_space<hbm>>
      tpu.wait_dma2 semaphore(%run_scoped3A : memref<!tpu.dma_semaphore, #tpu.memory_space<semaphore_mem>>) src(%arg6 : memref<32x512xf32, #tpu.memory_space<vmem>>) dst(%dma_wait3A_20 : memref<32x512xf32, #tpu.memory_space<hbm>>)
      tpu.yield
    }) : () -> ()
    return
  }
}

module attributes {stable_mosaic.version = 14 : i64} {
  func.func @_tc_body(%arg0: i32, %arg1: memref<1xi32, #tpu.memory_space<smem>>, %arg2: memref<512x2048xf32, #tpu.memory_space<vmem>>, %arg3: memref<2048x1024xf32, #tpu.memory_space<vmem>>, %arg4: memref<1x1024xf32, #tpu.memory_space<vmem>>, %arg5: memref<1024x512xf32, #tpu.memory_space<vmem>>, %arg6: memref<1x512xf32, #tpu.memory_space<vmem>>, %arg7: memref<512x1024xf32, #tpu.memory_space<vmem>>, %arg8: memref<1024x512xf32, #tpu.memory_space<vmem>>, %arg9: memref<1x1x512xi32, #tpu.memory_space<vmem>>, %arg10: memref<1x1xf32, #tpu.memory_space<smem>>, %arg11: memref<1xf32, #tpu.memory_space<smem>>) attributes {dimension_semantics = [#tpu.dimension_semantics<arbitrary>], iteration_bounds = array<i64: 2>, scalar_prefetch = 0 : i64, scratch_operands = 1 : i64, tpu.core_type = #tpu.core_type<tc>, window_params = [{transform_indices = @transform_0, window_bounds = array<i64: 1>}, {transform_indices = @transform_1, window_bounds = array<i64: 512, 2048>}, {pipeline_mode = #tpu.pipeline_mode<synchronous>, transform_indices = @transform_2, window_bounds = array<i64: 2048, 1024>}, {pipeline_mode = #tpu.pipeline_mode<synchronous>, transform_indices = @transform_3, window_bounds = array<i64: 1, 1024>}, {pipeline_mode = #tpu.pipeline_mode<synchronous>, transform_indices = @transform_4, window_bounds = array<i64: 1024, 512>}, {pipeline_mode = #tpu.pipeline_mode<synchronous>, transform_indices = @transform_5, window_bounds = array<i64: 1, 512>}, {pipeline_mode = #tpu.pipeline_mode<synchronous>, transform_indices = @transform_6, window_bounds = array<i64: 512, 1024>}, {pipeline_mode = #tpu.pipeline_mode<synchronous>, transform_indices = @transform_7, window_bounds = array<i64: 1024, 512>}, {transform_indices = @transform_8, window_bounds = array<i64: 1, 1, 512>}, {transform_indices = @transform_9, window_bounds = array<i64: 1, 1>}]} {
    %get3A = arith.constant 0 : index
    %get3A_0 = arith.constant 0 : index
    %get3A_1 = vector.load %arg2[%get3A, %get3A_0] : memref<512x2048xf32, #tpu.memory_space<vmem>>, vector<512x2048xf32>
    %get3A_2 = arith.constant 0 : index
    %get3A_3 = arith.constant 0 : index
    %get3A_4 = vector.load %arg3[%get3A_2, %get3A_3] : memref<2048x1024xf32, #tpu.memory_space<vmem>>, vector<2048x1024xf32>
    %dot_general3A = arith.constant dense<0.000000e+00> : vector<512x1024xf32>
    %dot_general3A_5 = tpu.matmul %get3A_1, %get3A_4, %dot_general3A {dimension_numbers = #tpu.dot_dimension_numbers<[1], [0], [0], [1], [0, 0, 1, 1], [], []>, transpose_lhs_hint = false} : vector<512x2048xf32>, vector<2048x1024xf32>, vector<512x1024xf32> -> vector<512x1024xf32>
    %get3A_6 = arith.constant 0 : index
    %get3A_7 = arith.constant 0 : index
    %get3A_8 = vector.load %arg4[%get3A_6, %get3A_7] : memref<1x1024xf32, #tpu.memory_space<vmem>>, vector<1x1024xf32>
    %add3A = vector.broadcast %get3A_8 : vector<1x1024xf32> to vector<512x1024xf32>
    %add3A_9 = arith.addf %dot_general3A_5, %add3A : vector<512x1024xf32>
    %ge3A = arith.constant 0.000000e+00 : f32
    %ge3A_10 = vector.broadcast %ge3A : f32 to vector<512x1024xf32>
    %ge3A_11 = arith.cmpf oge, %add3A_9, %ge3A_10 : vector<512x1024xf32>
    %mul3A = arith.constant 0.00999999977 : f32
    %mul3A_12 = vector.broadcast %mul3A : f32 to vector<512x1024xf32>
    %mul3A_13 = arith.mulf %mul3A_12, %add3A_9 : vector<512x1024xf32>
    %select_n3A = arith.select %ge3A_11, %add3A_9, %mul3A_13 : vector<512x1024xi1>, vector<512x1024xf32>
    %get3A_14 = arith.constant 0 : index
    %get3A_15 = arith.constant 0 : index
    %get3A_16 = vector.load %arg5[%get3A_14, %get3A_15] : memref<1024x512xf32, #tpu.memory_space<vmem>>, vector<1024x512xf32>
    %dot_general3A_17 = arith.constant dense<0.000000e+00> : vector<512x512xf32>
    %dot_general3A_18 = tpu.matmul %select_n3A, %get3A_16, %dot_general3A_17 {dimension_numbers = #tpu.dot_dimension_numbers<[1], [0], [0], [1], [0, 0, 1, 1], [], []>, transpose_lhs_hint = false} : vector<512x1024xf32>, vector<1024x512xf32>, vector<512x512xf32> -> vector<512x512xf32>
    %get3A_19 = arith.constant 0 : index
    %get3A_20 = arith.constant 0 : index
    %get3A_21 = vector.load %arg6[%get3A_19, %get3A_20] : memref<1x512xf32, #tpu.memory_space<vmem>>, vector<1x512xf32>
    %add3A_22 = vector.broadcast %get3A_21 : vector<1x512xf32> to vector<512x512xf32>
    %add3A_23 = arith.addf %dot_general3A_18, %add3A_22 : vector<512x512xf32>
    %get3A_24 = arith.constant 0 : index
    %get3A_25 = arith.constant 0 : index
    %get3A_26 = vector.load %arg7[%get3A_24, %get3A_25] : memref<512x1024xf32, #tpu.memory_space<vmem>>, vector<512x1024xf32>
    %integer_pow3A = arith.mulf %add3A_23, %add3A_23 : vector<512x512xf32>
    %reduce_sum3A = arith.constant dense<0.000000e+00> : vector<512xf32>
    %reduce_sum3A_27 = vector.multi_reduction <add>, %integer_pow3A, %reduce_sum3A [1] : vector<512x512xf32> to vector<512xf32>
    %broadcast_in_dim3A = vector.shape_cast %reduce_sum3A_27 : vector<512xf32> to vector<512x1xf32>
    %integer_pow3A_28 = arith.mulf %get3A_26, %get3A_26 : vector<512x1024xf32>
    %reduce_sum3A_29 = arith.constant dense<0.000000e+00> : vector<1024xf32>
    %reduce_sum3A_30 = vector.multi_reduction <add>, %integer_pow3A_28, %reduce_sum3A_29 [0] : vector<512x1024xf32> to vector<1024xf32>
    %broadcast_in_dim3A_31 = vector.shape_cast %reduce_sum3A_30 : vector<1024xf32> to vector<1x1024xf32>
    %dot_general3A_32 = arith.constant dense<0.000000e+00> : vector<512x1024xf32>
    %dot_general3A_33 = tpu.matmul %add3A_23, %get3A_26, %dot_general3A_32 {dimension_numbers = #tpu.dot_dimension_numbers<[1], [0], [0], [1], [0, 0, 1, 1], [], []>, transpose_lhs_hint = false} : vector<512x512xf32>, vector<512x1024xf32>, vector<512x1024xf32> -> vector<512x1024xf32>
    %mul3A_34 = arith.constant 2.000000e+00 : f32
    %mul3A_35 = vector.broadcast %mul3A_34 : f32 to vector<512x1024xf32>
    %mul3A_36 = arith.mulf %mul3A_35, %dot_general3A_33 : vector<512x1024xf32>
    %sub3A = vector.broadcast %broadcast_in_dim3A : vector<512x1xf32> to vector<512x1024xf32>
    %sub3A_37 = arith.subf %sub3A, %mul3A_36 : vector<512x1024xf32>
    %add3A_38 = vector.broadcast %broadcast_in_dim3A_31 : vector<1x1024xf32> to vector<512x1024xf32>
    %add3A_39 = arith.addf %sub3A_37, %add3A_38 : vector<512x1024xf32>
    %reduce_min3A = arith.constant dense<0x7F800000> : vector<512xf32>
    %reduce_min3A_40 = vector.multi_reduction <minimumf>, %add3A_39, %reduce_min3A [1] : vector<512x1024xf32> to vector<512xf32>
    %broadcast_in_dim3A_41 = vector.shape_cast %reduce_min3A_40 : vector<512xf32> to vector<512x1xf32>
    %iota3A = tpu.iota {dimensions = array<i32: 1>} : vector<512x1024xi32>
    %eq3A = vector.broadcast %broadcast_in_dim3A_41 : vector<512x1xf32> to vector<512x1024xf32>
    %eq3A_42 = arith.cmpf oeq, %add3A_39, %eq3A : vector<512x1024xf32>
    %jit3A = arith.constant 1024 : i32
    %broadcast_in_dim3A_43 = vector.broadcast %jit3A : i32 to vector<512x1024xi32>
    %select_n3A_44 = arith.select %eq3A_42, %iota3A, %broadcast_in_dim3A_43 : vector<512x1024xi1>, vector<512x1024xi32>
    %reduce_min3A_45 = arith.constant dense<2147483647> : vector<512xi32>
    %reduce_min3A_46 = vector.multi_reduction <minsi>, %select_n3A_44, %reduce_min3A_45 [1] : vector<512x1024xi32> to vector<512xi32>
    %reshape3A = vector.shape_cast %reduce_min3A_46 : vector<512xi32> to vector<1x1x512xi32>
    %swap3A = arith.constant 0 : index
    %swap3A_47 = arith.constant 0 : index
    %swap3A_48 = arith.constant 0 : index
    %swap3A_49 = vector.load %arg9[%swap3A, %swap3A_47, %swap3A_48] : memref<1x1x512xi32, #tpu.memory_space<vmem>>, vector<1x1x512xi32>
    tpu.vector_store %arg9[%swap3A, %swap3A_47, %swap3A_48], %reshape3A {strides = array<i32>} : memref<1x1x512xi32, #tpu.memory_space<vmem>>, vector<1x1x512xi32>,
    %eq3A_50 = arith.constant 0 : i32
    %eq3A_51 = arith.cmpi eq, %arg0, %eq3A_50 : i32
    %convert_element_type3A = arith.extui %eq3A_51 : i1 to i32
    %cond3A = arith.constant 0 : i32
    %cond3A_52 = arith.cmpi ne, %convert_element_type3A, %cond3A : i32
    scf.if %cond3A_52 {
      %swap3A_68 = arith.constant 0.000000e+00 : f32
      %swap3A_69 = arith.constant 0 : index
      %swap3A_70 = memref.load %arg11[%swap3A_69] : memref<1xf32, #tpu.memory_space<smem>>
      memref.store %swap3A_68, %arg11[%swap3A_69] : memref<1xf32, #tpu.memory_space<smem>>
      %transpose3A = tpu.transpose %get3A_26, [1, 0] : vector<512x1024xf32> -> vector<1024x512xf32>
      %swap3A_71 = arith.constant 0 : index
      %swap3A_72 = arith.constant 0 : index
      %swap3A_73 = vector.load %arg8[%swap3A_71, %swap3A_72] : memref<1024x512xf32, #tpu.memory_space<vmem>>, vector<1024x512xf32>
      tpu.vector_store %arg8[%swap3A_71, %swap3A_72], %transpose3A {strides = array<i32>} : memref<1024x512xf32, #tpu.memory_space<vmem>>, vector<1024x512xf32>,
    } else {
    }
    %get3A_53 = arith.constant 0 : index
    %get3A_54 = memref.load %arg11[%get3A_53] : memref<1xf32, #tpu.memory_space<smem>>
    %reduce_sum3A_55 = vector.shape_cast %broadcast_in_dim3A_41 : vector<512x1xf32> to vector<1x512x1xf32>
    %reduce_sum3A_56 = arith.constant dense<0.000000e+00> : vector<1xf32>
    %reduce_sum3A_57 = vector.multi_reduction <add>, %reduce_sum3A_55, %reduce_sum3A_56 [1, 2] : vector<1x512x1xf32> to vector<1xf32>
    %reduce_sum3A_58 = vector.shape_cast %reduce_sum3A_57 : vector<1xf32> to vector<1x1x1xf32>
    %reduce_sum3A_59 = vector.extract %reduce_sum3A_58[0, 0, 0] : f32 from vector<1x1x1xf32>
    %add3A_60 = arith.addf %get3A_54, %reduce_sum3A_59 : f32
    %swap3A_61 = arith.constant 0 : index
    %swap3A_62 = memref.load %arg11[%swap3A_61] : memref<1xf32, #tpu.memory_space<smem>>
    memref.store %add3A_60, %arg11[%swap3A_61] : memref<1xf32, #tpu.memory_space<smem>>
    %eq3A_63 = arith.constant 1 : i32
    %eq3A_64 = arith.cmpi eq, %arg0, %eq3A_63 : i32
    %convert_element_type3A_65 = arith.extui %eq3A_64 : i1 to i32
    %cond3A_66 = arith.constant 0 : i32
    %cond3A_67 = arith.cmpi ne, %convert_element_type3A_65, %cond3A_66 : i32
    scf.if %cond3A_67 {
      %get3A_68 = arith.constant 0 : index
      %get3A_69 = memref.load %arg1[%get3A_68] : memref<1xi32, #tpu.memory_space<smem>>
      %ne3A = arith.constant 0 : i32
      %ne3A_70 = arith.cmpi ne, %get3A_69, %ne3A : i32
      %get3A_71 = arith.constant 0 : index
      %get3A_72 = memref.load %arg11[%get3A_71] : memref<1xf32, #tpu.memory_space<smem>>
      %div3A = arith.constant 5.242880e+05 : f32
      %div3A_73 = arith.divf %get3A_72, %div3A : f32
      %jit3A_74 = arith.constant 0.000000e+00 : f32
      %select_n3A_75 = arith.select %ne3A_70, %div3A_73, %jit3A_74 : f32
      %swap3A_76 = arith.constant 0 : index
      %swap3A_77 = arith.constant 0 : index
      %swap3A_78 = memref.load %arg10[%swap3A_76, %swap3A_77] : memref<1x1xf32, #tpu.memory_space<smem>>
      memref.store %select_n3A_75, %arg10[%swap3A_76, %swap3A_77] : memref<1x1xf32, #tpu.memory_space<smem>>
    } else {
    }
    return
  }
  func.func @transform_0(%arg0: i32) -> i32 {
    %c0_i32 = arith.constant 0 : i32
    %c0_i32_0 = arith.constant 0 : i32
    return %c0_i32 : i32
  }
  func.func @transform_1(%arg0: i32) -> (i32, i32) {
    %c0_i32 = arith.constant 0 : i32
    %c0_i32_0 = arith.constant 0 : i32
    return %arg0, %c0_i32 : i32, i32
  }
  func.func @transform_2(%arg0: i32) -> (i32, i32) {
    %c0_i32 = arith.constant 0 : i32
    %c0_i32_0 = arith.constant 0 : i32
    %c0_i32_1 = arith.constant 0 : i32
    return %c0_i32, %c0_i32_0 : i32, i32
  }
  func.func @transform_3(%arg0: i32) -> (i32, i32) {
    %c0_i32 = arith.constant 0 : i32
    %c0_i32_0 = arith.constant 0 : i32
    %c0_i32_1 = arith.constant 0 : i32
    return %c0_i32, %c0_i32_0 : i32, i32
  }
  func.func @transform_4(%arg0: i32) -> (i32, i32) {
    %c0_i32 = arith.constant 0 : i32
    %c0_i32_0 = arith.constant 0 : i32
    %c0_i32_1 = arith.constant 0 : i32
    return %c0_i32, %c0_i32_0 : i32, i32
  }
  func.func @transform_5(%arg0: i32) -> (i32, i32) {
    %c0_i32 = arith.constant 0 : i32
    %c0_i32_0 = arith.constant 0 : i32
    %c0_i32_1 = arith.constant 0 : i32
    return %c0_i32, %c0_i32_0 : i32, i32
  }
  func.func @transform_6(%arg0: i32) -> (i32, i32) {
    %c0_i32 = arith.constant 0 : i32
    %c0_i32_0 = arith.constant 0 : i32
    %c0_i32_1 = arith.constant 0 : i32
    return %c0_i32, %c0_i32_0 : i32, i32
  }
  func.func @transform_7(%arg0: i32) -> (i32, i32) {
    %c0_i32 = arith.constant 0 : i32
    %c0_i32_0 = arith.constant 0 : i32
    %c0_i32_1 = arith.constant 0 : i32
    return %c0_i32, %c0_i32_0 : i32, i32
  }
  func.func @transform_8(%arg0: i32) -> (i32, i32, i32) {
    %c0_i32 = arith.constant 0 : i32
    %c0_i32_0 = arith.constant 0 : i32
    %c0_i32_1 = arith.constant 0 : i32
    return %arg0, %c0_i32, %c0_i32_0 : i32, i32, i32
  }
  func.func @transform_9(%arg0: i32) -> (i32, i32) {
    %c0_i32 = arith.constant 0 : i32
    %c0_i32_0 = arith.constant 0 : i32
    %c0_i32_1 = arith.constant 0 : i32
    return %c0_i32, %c0_i32_0 : i32, i32
  }
}

</mosaic_0001>

<sc_bundles>
// kernel: kernel.4.cloned.1.call-start
scs
__scs_entry_jumppad:
0x0: {  	(pc) =	sbr.rel $0x88, $3  }
0x1: {  	(tag) =	ssettag $0x0;
	lr =	simm.s32 $0x1  }
0x2: {  	[smem:$0x3F9A] =	sst lr;
	_ =	strace $0xD0000000  }
0x3: {  	_ = 	snop  }
0x4: {  	_ = 	snop  }
0x5: {  	_ = 	snop  }
0x6: {  	_ = 	snop  }
0x7: {  	_ = 	snop  }
__scs_overlays_trampoline_lowered:
0x8: {  	[smem:$0x3FA9] =	sst s0  }
0x9: {  	[smem:$0x3FAA] =	sst s1  }
0xa: {  	[smem:$0x3FAB] =	sst s2  }
0xb: {  	[smem:$0x3FAC] =	sst s3  }
0xc: {  	[smem:$0x3FAD] =	sst s4  }
0xd: {  	[smem:$0x3FAE] =	sst s5  }
0xe: {  	[smem:$0x3FAF] =	sst s6  }
0xf: {  	[smem:$0x3FB0] =	sst s7  }
0x10: {  	[smem:$0x3FB1] =	sst s8  }
0x11: {  	[smem:$0x3FB2] =	sst s9;
	s0 =	simm.s32 @!p0 $0x0  }
0x12: {  	s1 =	sld [smem:$0x3F98];
	s0 =	simm.s32 @p0 $0x1  }
0x13: {  	[smem:$0x3FB3] =	sst s0;
	s0 =	simm.s32 @!p1 $0x0  }
0x14: {  	s2 =	sld [smem:$0x3F97];
	s0 =	simm.s32 @p1 $0x1  }
0x15: {  	[smem:$0x3FB4] =	sst s0;
	s0 =	simm.s32 @!p2 $0x0  }
0x16: {  	s3 =	sld [smem:$0x3FDB];
	s0 =	simm.s32 @p2 $0x1  }
0x17: {  	s4 =	simm.s32 $0x1BF5;
	[smem:$0x3FB6] =	sst s0  }
0x18: {  	s0 =	sld [smem:$0x3F99];
	_ =	swait.ge [sflag:s4], $0x0  }
0x19: {  	s7 =	sld [smem:$0x3F9A]  }
0x1a: {  	s8 =	sadd.s32 $0xFFFFE003, lr  }
0x1b: {  	s9 =	sadd.s32 $0xFFFFFEF7, lr;
	s5 =	simm.s32 $0xFFFFFFFF;
	p2 =	slt.u32 s8, $0xFFFFF086  }
0x1c: {  	p1 =	slt.u32 s9, $0xF7A;
	s5 =	simm.s32 @!p2 $0x0  }
0x1d: {  	s5 =	simm.s32 @p1 $0x1;
	p0 =	seq.s32 s7, s2  }
0x1e: {  	s7 =	smul.u32 @!p0 $0xF7A, s2;
	p2 =	seq.s32 @!p0 s5, $0x0  }
0x1f: {  	s9 =	smul.u32 $0xF7A, s1;
	s8 =	simm.s32 @!p0 $0x1BF5;
	p2 =	por !p2, p0  }
0x20: {  	[sflag:s8] =	ssyncset.s32 @!p0 $0xFFFFF086;
	s6 =	sadd.s32 @!p0 s3, s7;
	s7 =	simm.s32 @!p0 $0x108  }
0x21: {  	s3 =	sadd.s32 s3, s9;
	s6 =	sadd.s32 @!p0 $0x88, s6;
	s7 =	simm.s32 @p2 $0x1082  }
0x22: {  	[simem:s7], [sflag:s8] =	dma.local @!p0 [hbm:s6], $0xF7A  }
0x23: {  	s9 =	sor.u32 $0xD0000000, s2;
	s6 =	simm.s32 $0x108;
	_ =	swait.ge @!p0 [sflag:s8], $0x0  }
0x24: {  	s3 =	sadd.s32 $0x88, s3;
	s6 =	simm.s32 @!p1 $0x1082;
	[sflag:s4] =	ssyncset.s32 $0xFFFFF086  }
0x25: {  	[simem:s6], [sflag:s4] =	dma.local [hbm:s3], $0xF7A  }
0x26: {  	[smem:$0x3F9A] =	sst s1;
	(tag) =	ssettag s2;
	_ =	strace s9  }
0x27: {  	s1 =	sld [smem:$0x3FAA]  }
0x28: {  	s2 =	sld [smem:$0x3FAB]  }
0x29: {  	s4 =	sld [smem:$0x3FAD]  }
0x2a: {  	p0 =	seq.s32 s5, $0x0;
	s5 =	sld [smem:$0x3FAE]  }
0x2b: {  	s6 =	sld [smem:$0x3FAF]  }
0x2c: {  	s7 =	sld [smem:$0x3FB0]  }
0x2d: {  	s3 =	simm.s32 $0x108;
	s8 =	sld [smem:$0x3FB1]  }
0x2e: {  	s3 =	simm.s32 @!p0 $0x1082;
	s9 =	sld [smem:$0x3FB2]  }
0x2f: {  	lr =	sadd.s32 s0, s3;
	s0 =	sld [smem:$0x3FA9]  }
0x30: {  	s3 =	sld [smem:$0x3FAC]  }
0x31: {  	[smem:$0x3FB5] =	sst s10  }
0x32: {  	s10 =	sld [smem:$0x3FB3];
	_ =	sdelay $0x3  }
0x33: {  	p0 =	seq.s32 s10, $0x1;
	s10 =	sld [smem:$0x3FB5];
	_ =	sdelay $0x3  }
0x34: {  	[smem:$0x3FB5] =	sst s10  }
0x35: {  	s10 =	sld [smem:$0x3FB4];
	_ =	sdelay $0x3  }
0x36: {  	p1 =	seq.s32 s10, $0x1;
	s10 =	sld [smem:$0x3FB5];
	_ =	sdelay $0x3  }
0x37: {  	[smem:$0x3FB5] =	sst s10  }
0x38: {  	s10 =	sld [smem:$0x3FB6]  }
0x39: {  	_ = 	snop;
	(pc) =	sbr.ind lr, $3  }
0x3a: {  	_ = 	snop  }
0x3b: {  	_ = 	snop  }
0x3c: {  	p2 =	seq.s32 s10, $0x1;
	s10 =	sld [smem:$0x3FB5]  }
0x3d: {  	_ =	shalt  }
0x3e: {  	_ =	shalt  }
0x3f: {  	_ =	shalt  }
0x40: {  	_ =	shalt  }
0x41: {  	_ =	shalt  }
0x42: {  	_ =	shalt  }
0x43: {  	_ =	shalt  }
0x44: {  	_ =	shalt  }
0x45: {  	_ =	shalt  }
0x46: {  	_ =	shalt  }
0x47: {  	_ =	shalt  }
0x48: {  	_ =	shalt  }
0x49: {  	_ =	shalt  }
0x4a: {  	_ =	shalt  }
0x4b: {  	_ =	shalt  }
0x4c: {  	_ =	shalt  }
0x4d: {  	_ =	shalt  }
0x4e: {  	_ =	shalt  }
0x4f: {  	_ =	shalt  }
0x50: {  	_ =	shalt  }
0x51: {  	_ =	shalt  }
0x52: {  	_ =	shalt  }
0x53: {  	_ =	shalt  }
0x54: {  	_ =	shalt  }
0x55: {  	_ =	shalt  }
0x56: {  	_ =	shalt  }
0x57: {  	_ =	shalt  }
0x58: {  	_ =	shalt  }
0x59: {  	_ =	shalt  }
0x5a: {  	_ =	shalt  }
0x5b: {  	_ =	shalt  }
0x5c: {  	_ =	shalt  }
0x5d: {  	_ =	shalt  }
0x5e: {  	_ =	shalt  }
0x5f: {  	_ =	shalt  }
0x60: {  	_ =	shalt  }
0x61: {  	_ =	shalt  }
0x62: {  	_ =	shalt  }
0x63: {  	_ =	shalt  }
0x64: {  	_ =	shalt  }
0x65: {  	_ =	shalt  }
0x66: {  	_ =	shalt  }
0x67: {  	_ =	shalt  }
0x68: {  	_ =	shalt  }
0x69: {  	_ =	shalt  }
0x6a: {  	_ =	shalt  }
0x6b: {  	_ =	shalt  }
0x6c: {  	_ =	shalt  }
0x6d: {  	_ =	shalt  }
0x6e: {  	_ =	shalt  }
0x6f: {  	_ =	shalt  }
0x70: {  	_ =	shalt  }
0x71: {  	_ =	shalt  }
0x72: {  	_ =	shalt  }
0x73: {  	_ =	shalt  }
0x74: {  	_ =	shalt  }
0x75: {  	_ =	shalt  }
0x76: {  	_ =	shalt  }
0x77: {  	_ =	shalt  }
0x78: {  	_ =	shalt  }
0x79: {  	_ =	shalt  }
0x7a: {  	_ =	shalt  }
0x7b: {  	_ =	shalt  }
0x7c: {  	_ =	shalt  }
0x7d: {  	_ =	shalt  }
0x7e: {  	_ =	shalt  }
0x7f: {  	_ =	shalt  }
0x80: {  	_ =	shalt  }
0x81: {  	_ =	shalt  }
0x82: {  	_ =	shalt  }
0x83: {  	_ =	shalt  }
0x84: {  	_ =	shalt  }
0x85: {  	_ =	shalt  }
0x86: {  	_ =	shalt  }
0x87: {  	_ =	shalt  }
.Lfunc_end0:
.L_simem_size_0:
called_computation_lowered:
.L_overlay_start_0:
0x88: {  	s2 =	sld [smem:$0x3FD9]  }
0x89: {  	s3 =	sld [smem:$0x3FFE];
	_ =	sdelay $0x1  }
0x8a: {  	s1 =	srdreg.scid  }
0x8b: {  	s0 =	sand.u32 $0x1, s1  }
0x8c: {  	s14 =	sshll.u32 s0, $0xA;
	s2 =	sadd.s32 s3, s2  }
0x8d: {  	s2 =	sadd.s32 s2, s14  }
0x8e: {  	[smem:$0x3FC1] =	sst s2  }
0x8f: {  	_ = 	snop  }
0x90: {  	s2 =	sld [smem:$0x3FD0];
	_ =	sdelay $0x2  }
0x91: {  	s15 =	simm.s32 $0xA;
	s4 =	simm.s32 $0x10  }
0x92: {  	[smem:s4], [sflag:s15] =	dma.local [hbm:s2], $0x1  }
0x93: {  	_ =	swait.eq [sflag:s15], $0x1  }
0x94: {  	[sflag:s15] =	ssyncset.done $0x0  }
0x95: {  	s16 =	sld [smem:$0x10];
	[sflag:s15] =	ssyncadd.s32 $0xFFFFFFFF  }
0x96: {  	s17 =	sld [smem:$0x12];
	(tm) =	ssettm $0x1  }
0x97: {  	s18 =	sld [smem:$0x3FFB];
	_ =	sdelay $0x3  }
0x98: {  	_ =	strace s18  }
0x99: {  	s4 =	sld [smem:$0x3FFC];
	_ =	sdelay $0x3  }
0x9a: {  	_ =	strace s4  }
0x9b: {  	s4 =	sld [smem:$0x3FFD];
	_ =	sdelay $0x3  }
0x9c: {  	_ =	strace s4  }
0x9d: {  	_ =	strace $0x8FFFFFFF  }
0x9e: {  	s19 =	sld [smem:$0x3FDB];
	_ =	sdelay $0x1  }
0x9f: {  	s5 =	simm.s32 $_scs_section_size  }
0xa0: {  	s6 =	simm.s32 $_size__tile_overlayer_lowered;
	s7 =	simm.s32 $_tile_overlayer_lowered  }
0xa1: {  	s22 =	simm.s32 $0x1BFF;
	s21 =	sshll.u32 s7, $0x1;
	s4 =	sadd.s32 s5, s19  }
0xa2: {  	s8 =	simm.s32 $0x0;
	s20 =	sshll.u32 s6, $0x1;
	s6 =	sadd.s32 s21, s4  }
0xa3: {  	[timem:s8], [sflag:s22] =	dma.local [hbm:s6], s20  }
0xa4: {  	_ =	swait.ge [sflag:s22], s20  }
0xa5: {  	s5 =	ssub.s32 $0x0, s20;
	[sflag:s22] =	ssyncset.done $0x0  }
0xa6: {  	[sflag:s22] =	ssyncadd.s32 s5;
	_ =	sdelay $0x1  }
0xa7: {  	s23 =	simm.s32 $0x1B8B  }
0xa8: {  	_ =	swait.ge [sflag:s23], $0x1  }
0xa9: {  	[sflag:s23] =	ssyncset.done $0x0  }
0xaa: {  	s25 =	simm.s32 $0x1B8E;
	s24 =	sld [smem:$0x3FFE];
	[sflag:s23] =	ssyncadd.s32 $0xFFFFFFFF  }
0xab: {  	s26 =	simm.s32 $execute0_lowered;
	[smem:$0x3FD2] =	sst s25  }
0xac: {  	s6 =	sshll.u32 s26, $0x1;
	_ =	strace $0x80000046;
	[dreg:$0x1] =	wrdreg $0xFFFFFFFF  }
0xad: {  	s28 =	simm.s32 $_size_execute0_lowered;
	s4 =	sadd.s32 s4, s6;
	[dreg:$0x0] =	wrdreg $0x0  }
0xae: {  	s6 =	sshll.u32 s28, $0x1;
	[dreg:$0x2] =	wrdreg s4  }
0xaf: {  	[dreg:$0x3] =	wrdreg s6  }
0xb0: {  	[dreg:$0x4] =	wrdreg $0xC0  }
0xb1: {  	_ =	task [dreg:s8], $0x5FFFF  }
0xb2: {  	[dreg:$0x1] =	wrdreg $0xFFFFFFFF  }
0xb3: {  	[dreg:$0x0] =	wrdreg $0x60  }
0xb4: {  	[dreg:$0x2] =	wrdreg s24  }
0xb5: {  	[dreg:$0x3] =	wrdreg s17  }
0xb6: {  	[dreg:$0x4] =	wrdreg s16  }
0xb7: {  	[dreg:$0x5] =	wrdreg $0x9  }
0xb8: {  	_ =	task.clear_ibuf [dreg:s8], $0x6FFFF;
	_ =	strace $0x90000046  }
0xb9: {  	s29 =	simm.s32 $0x9;
	_ =	strace $0x80000048  }
0xba: {  	_ =	swait.ge [sflag:s29], $0x1  }
0xbb: {  	[sflag:s29] =	ssyncadd.s32 $0xFFFFFFFF  }
0xbc: {  	_ =	strace $0x90000048  }
0xbd: {  	_ =	sfence  }
0xbe: {  	s30 =	sld [smem:$0x0];
	_ =	sdelay $0x2  }
0xbf: {  	s31 =	sshll.u32 s1, $0xD;
	s1 =	sshrl.u32 s1, $0x2  }
0xc0: {  	s3 =	sand.u32 $0x4000, s31;
	s1 =	sadd.s32 s1, s30  }
0xc1: {  	s0 =	sor.u32 s3, s0;
	s1 =	sshll.u32 s1, $0x11  }
0xc2: {  	s0 =	sor.u32 s1, s0  }
0xc3: {  	s0 =	sadd.s32 $0x8F2B, s0  }
0xc4: {  	[sflag:s0] =	ssyncadd.remote.s32 $0x1  }
0xc5: {  	_ =	sfence.sel $0xFFFF  }
0xc6: {  	[dreg:$0x0] =	wrdreg $0xFFFFFFFF;
	(pc) =	sbr.abs _section_cstart, $3  }
0xc7: {  	[dreg:$0x1] =	wrdreg $0xFFFFFFFF  }
0xc8: {  	_ =	task.clear_ibuf [dreg:s8], $0x2FFFF;
	_ =	strace $0x9FFFFFFF  }
0xc9: {  	(tm) =	ssettm $0x7FFFFFFF  }
tec
execute0_lowered:
.L_overlay_start_1:
0x0: {  	(tag) =	ssettag $0x1  }
0x1: {  	s5 =	rddreg [dreg:$0x0]  }
0x2: {  	s1 =	srdreg.scid;
	s3 =	rddreg [dreg:$0x1]  }
0x3: {  	s0 =	stileid.u32;
	s8 =	rddreg [dreg:$0x2];
	s6 =	sand.u32 $0x1, s1  }
0x4: {  	s2 =	simm.s32 $0x0;
	s4 =	sshll.u32 s0, $0x6;
	s7 =	sshll.u32 s6, $0x5  }
0x5: {  	[smem:$0x7FF] =	sst s2;
	s9 =	sor.u32 s7, s4  }
0x6: {  	s1 =	rddreg [dreg:$0x3];
	_ =	strace $0x80000047;
	s4 =	sshrl.u32 s9, $0x3  }
0x7: {  	s10 =	ssub.s32 $0x2, s6;
	s4 =	sadd.s32 s3, s4;
	s3 =	simm.s32 $0x2  }
0x8: {  	[tilespmem:s2], [sflag:$0x2] =	stream.linear.gather [hbm4b:s4+s2], $0x20, $0x38;
	[tilespmem:$0x4080] =	vst v63  }
0x9: {  	s5 =	sadd.s32 $0x1200, s5;
	s11 =	sshrl.u32 s10, $0x1;
	_ =	swait.ge [sflag:s3], $0x20  }
0xa: {  	s6 =	simm.s32 $0x80;
	s10 =	ssub.s32 s10, s11;
	[sflag:s3] =	ssyncset.done $0x0  }
0xb: {  	s7 =	simm.s32 $0x1;
	s31 =	smax.u32 s10, $0x1;
	[sflag:s3] =	ssyncadd.s32 $0xFFFFFFE0  }
0xc: {  	[tilespmem:s6], [sflag:$0x1] =	stream.linear.gather [hbm4b:s5+s2], $0x4000, $0x38;
	[tilespmem:$0x4080] =	vst v63  }
0xd: {  	p0 =	sne.s32 s31, $0x1;
	_ =	swait.ge [sflag:s7], $0x4000  }
.Ltmp0:
0xe: {  	s9 =	sshll.u32 s9, $0x6;
	[sflag:s7] =	ssyncset.done $0x0;
	(pc) =	sbr.rel @!p0 .LBB2_2-.Ltmp0, $4  }
0xf: {  	s8 =	sadd.s32 s8, s9;
	[sflag:s7] =	ssyncadd.s32 $0xFFFFC000  }
0x10: {  	[hbm4b:s8+s2] =	stream.linear.scatter [tilespmem:s6], [sflag:$0x2], $0x4000, $0x38;
	[tilespmem:$0x4080] =	vst v63  }
0x11: {  	_ =	swait.ge [sflag:s3], $0x4000  }
0x12: {  	s9 =	sadd.s32 $0xFFFFFFFF, s31;
	[sflag:s3] =	ssyncset.done $0x0  }
.LBB2_1:
0x13: {  	p0 =	sne.s32 s9, $0x1;
	s9 =	sadd.s32 $0xFFFFFFFF, s9;
	[sflag:s3] =	ssyncadd.s32 $0xFFFFC000  }
0x14: {  	[tilespmem:s2], [sflag:$0x2] =	stream.linear.gather [hbm4b:s4+s2], $0x20, $0x38;
	[tilespmem:$0x4080] =	vst v63  }
0x15: {  	_ =	swait.ge [sflag:s3], $0x20  }
0x16: {  	[sflag:s3] =	ssyncset.done $0x0  }
0x17: {  	[sflag:s3] =	ssyncadd.s32 $0xFFFFFFE0  }
0x18: {  	[tilespmem:s6], [sflag:$0x1] =	stream.linear.gather [hbm4b:s5+s2], $0x4000, $0x38;
	[tilespmem:$0x4080] =	vst v63  }
0x19: {  	_ =	swait.ge [sflag:s7], $0x4000  }
.Ltmp1:
0x1a: {  	[sflag:s7] =	ssyncset.done $0x0;
	(pc) =	sbr.rel @p0 .LBB2_1-.Ltmp1, $4  }
0x1b: {  	[sflag:s7] =	ssyncadd.s32 $0xFFFFC000  }
0x1c: {  	[hbm4b:s8+s2] =	stream.linear.scatter [tilespmem:s6], [sflag:$0x2], $0x4000, $0x38;
	[tilespmem:$0x4080] =	vst v63  }
0x1d: {  	_ =	swait.ge [sflag:s3], $0x4000  }
0x1e: {  	[sflag:s3] =	ssyncset.done $0x0  }
.LBB2_2:
0x1f: {  	[sflag:s3] =	ssyncadd.s32 $0xFFFFC000  }
0x20: {  	_ =	sfence.sel $0x180000  }
0x21: {  	[bflag:$0x0] =	sbarrier.arrive $0xFFFF  }
0x22: {  	p0 =	sne.s32 s0, $0x0;
	_ =	strace $0x90000047  }
0x23: {  	s0 =	sadd.s32 @!p0 $0x100000, s1;
	[bflag:$0x2] =	sbarrier.arrive $0xFFFF  }
0x24: {  	[sflag:s0] =	ssyncadd.tile.s32 @!p0 $0x1;
	_ =	shalt  }
.Lfunc_end2:
_tile_overlayer_lowered:
.L_overlay_start_2:
0x25: {  	(tag) =	ssettag $0x2  }
0x26: {  	s0 =	rddreg [dreg:$0x0];
	s2 =	stileid.u32  }
0x27: {  	s1 =	rddreg [dreg:$0x1];
	p0 =	sne.s32 s2, $0x0  }
0x28: {  	s3 =	rddreg [dreg:$0x2];
	[bflag:$0x3] =	sbarrier.arrive $0xFFFF;
	s2 =	simm.s32 @!p0 $0x1C02  }
0x29: {  	[timem:s3], [sflag:s2] =	dma.local @!p0 [hbm:s0], s1  }
0x2a: {  	s0 =	simm.s32 @!p0 $0x2  }
0x2b: {  	_ =	swait.ge @!p0 [sflag:s0], s1  }
0x2c: {  	s1 =	ssub.s32 @!p0 $0x0, s1;
	[sflag:s0] =	ssyncset.done @!p0 $0x0  }
0x2d: {  	[sflag:s0] =	ssyncadd.s32 @!p0 s1  }
0x2e: {  	[bflag:$0x3] =	sbarrier.arrive $0xFFFF  }
0x2f: {  	_ =	shalt  }

</sc_bundles>
